<compile_context>
chip_gen: v7x
topology: tpu7x:2x2x1
jax: 0.10.2.dev20260603
libtpu: 0.0.44.dev20260713+nightly
codegen_flags: <defaults>
</compile_context>

<pallas_src>
import functools

import jax
import jax.numpy as jnp
from jax import lax
from jax.experimental import pallas as pl
from jax.experimental.pallas import tpu as pltpu
from jax.experimental.pallas import tpu_sc as plsc

N_NODES = 10000
N_EDGES = 320000
D = 128

NC = 2
NS = 16
NW = NC * NS
E_PER_TILE = N_EDGES // NW
CHUNK = 80
NCHUNK = E_PER_TILE // CHUNK
NBUF = 2
N_PAD = 10112
ROWS_PER_TILE = N_PAD // NS

_mesh = plsc.VectorSubcoreMesh(core_axis_name="c", subcore_axis_name="s")


@functools.partial(
    pl.kernel,
    out_type=jax.ShapeDtypeStruct((NC, N_PAD, D), jnp.float32),
    mesh=_mesh,
    scratch_types=[
        pltpu.VMEM((E_PER_TILE,), jnp.int32),
        pltpu.VMEM((NCHUNK, CHUNK), jnp.int32),
        [pltpu.VMEM((CHUNK, D), jnp.float32) for _ in range(NBUF)],
        [pltpu.SemaphoreType.DMA for _ in range(NBUF)],
        [pltpu.SemaphoreType.DMA for _ in range(3)],
        pltpu.VMEM_SHARED((N_PAD, D), jnp.float32),
    ],
)
def _sc_aggregate(feats_hbm, src_hbm, dst_hbm, zeros_hbm, out_hbm,
                  src_v, dst_v, rows, sems, stage_sems, agg_sh):
    c = lax.axis_index("c")
    s = lax.axis_index("s")
    wid = c * NS + s
    stripe = pl.ds(s * ROWS_PER_TILE, ROWS_PER_TILE)

    zc = pltpu.async_copy(zeros_hbm, agg_sh.at[stripe], stage_sems[0])
    sc = pltpu.async_copy(src_hbm.at[pl.ds(wid * E_PER_TILE, E_PER_TILE)],
                          src_v, stage_sems[1])
    dc = pltpu.async_copy(dst_hbm.at[wid], dst_v, stage_sems[2])

    def _src(j):
        return src_v.at[pl.ds(j * CHUNK, CHUNK)]

    sc.wait()
    g0 = pltpu.async_copy(feats_hbm.at[_src(0)], rows[0], sems[0])
    zc.wait()
    dc.wait()
    plsc.subcore_barrier()

    g0.wait()
    pltpu.sync_copy(rows[0], agg_sh.at[dst_v.at[0]], add=True)
    for b in range(NBUF):
        pltpu.async_copy(feats_hbm.at[_src(1 + b)], rows[b], sems[b])

    def body(g, carry):
        for b in range(NBUF):
            j = 1 + g * NBUF + b
            pltpu.make_async_copy(feats_hbm.at[_src(j)], rows[b],
                                  sems[b]).wait()
            pltpu.sync_copy(rows[b], agg_sh.at[dst_v.at[j]], add=True)
            pltpu.async_copy(feats_hbm.at[_src(j + NBUF)], rows[b], sems[b])
        return carry

    lax.fori_loop(0, (NCHUNK - 1) // NBUF - 1, body, 0)
    for b in range(NBUF):
        j = NCHUNK - NBUF + b
        pltpu.make_async_copy(feats_hbm.at[_src(j)], rows[b], sems[b]).wait()
        pltpu.sync_copy(rows[b], agg_sh.at[dst_v.at[j]], add=True)
    plsc.subcore_barrier()
    pl.delay(2048)
    plsc.subcore_barrier()

    pltpu.sync_copy(agg_sh.at[pl.ds(s * ROWS_PER_TILE, ROWS_PER_TILE)],
                    out_hbm.at[c, pl.ds(s * ROWS_PER_TILE, ROWS_PER_TILE)])


_ROWS_BLK = 1000


def _root_body(x, wroot_t, b, o):
    o[...] = jnp.dot(x[...], wroot_t[...],
                     preferred_element_type=jnp.float32) + b[...]


def _root(feats, wroot_t, b):
    return pl.pallas_call(
        _root_body,
        grid=(N_NODES // _ROWS_BLK,),
        in_specs=[
            pl.BlockSpec((_ROWS_BLK, D), lambda i: (i, 0)),
            pl.BlockSpec((D, D), lambda i: (0, 0)),
            pl.BlockSpec((1, D), lambda i: (0, 0)),
        ],
        out_specs=pl.BlockSpec((_ROWS_BLK, D), lambda i: (i, 0)),
        out_shape=jax.ShapeDtypeStruct((N_NODES, D), jnp.float32),
    )(feats, wroot_t, b)


def _combine_body(p0, p1, z, wrel_t, o):
    agg = p0[...] + p1[...]
    o[...] = jnp.maximum(
        jnp.dot(agg, wrel_t[...], preferred_element_type=jnp.float32) + z[...],
        0.0,
    )


def _combine(p0, p1, z, wrel_t):
    return pl.pallas_call(
        _combine_body,
        grid=(N_NODES // _ROWS_BLK,),
        in_specs=[
            pl.BlockSpec((_ROWS_BLK, D), lambda i: (i, 0)),
            pl.BlockSpec((_ROWS_BLK, D), lambda i: (i, 0)),
            pl.BlockSpec((_ROWS_BLK, D), lambda i: (i, 0)),
            pl.BlockSpec((D, D), lambda i: (0, 0)),
        ],
        out_specs=pl.BlockSpec((_ROWS_BLK, D), lambda i: (i, 0)),
        out_shape=jax.ShapeDtypeStruct((N_NODES, D), jnp.float32),
    )(p0, p1, z, wrel_t)


def kernel(feats, edge_index, W_rel, b_rel, W_root):
    ei = edge_index.astype(jnp.int32)
    src = ei[0]
    dst = ei[1].reshape(NW, NCHUNK, CHUNK)
    zeros = jnp.zeros((ROWS_PER_TILE, D), jnp.float32)
    partials = _sc_aggregate(feats, src, dst, zeros)
    z = _root(feats, W_root.T, b_rel.reshape(1, D))
    return _combine(partials[0, :N_NODES], partials[1, :N_NODES], z, W_rel.T)

# --- scband reference (transcript-rebuilt; emitter-appended) ---
"""Pipeline reference for scband-pyg-gcnlayer-2010044694725 (READ-ONLY COPY).

The authoritative reference and input builder live on the scoring server;
editing this copy changes nothing except your own understanding.
"""

import jax, jax.numpy as jnp
import numpy as np

N_NODES = 10000
N_EDGES = 320000
D_IN = 128
D_OUT = 128


def setup_inputs(seed: int = 0) -> dict:
    key = jax.random.key(seed)
    k1, k2, k3, k4, k5 = jax.random.split(key, 5)
    feats = jax.random.normal(k1, (N_NODES, D_IN), dtype=jnp.float32)
    edge_index = jax.random.randint(k2, (2, N_EDGES), 0, N_NODES, dtype=jnp.int64)
    # Linear params (nn.Linear stores weight as [out, in])
    W_rel = jax.random.normal(k3, (D_OUT, D_IN), dtype=jnp.float32) * 0.05
    b_rel = jax.random.normal(k4, (D_OUT,), dtype=jnp.float32) * 0.05
    W_root = jax.random.normal(k5, (D_OUT, D_IN), dtype=jnp.float32) * 0.05
    return {"feats": feats, "edge_index": edge_index, "W_rel": W_rel, "b_rel": b_rel, "W_root": W_root}


def reference(feats, edge_index, W_rel, b_rel, W_root):
    # pyg_GraphConv forward (aggr='add'):
    #   out = propagate(edge_index, x=(x, x))  -> sum of source features at dst nodes
    #   out = lin_rel(out) + lin_root(x)
    src = edge_index[0]
    dst = edge_index[1]
    msg = jnp.take(feats, src, axis=0)                      # gather source features [E, D_IN]
    agg = jax.ops.segment_sum(msg, dst, num_segments=N_NODES)  # scatter-add to dst [N, D_IN]
    out = agg @ W_rel.T + b_rel + feats @ W_root.T
    # pyg_GCNLayer: activation (relu); residual=False, batchnorm=False, dropout=0.0 (identity in eval)
    new_feats = jax.nn.relu(out)
    return new_feats

if __name__ == "__main__":
    import jax
    _d = setup_inputs()
    print(jax.jit(kernel)(*tuple(_d.values())))

</pallas_src>

<mosaic_0001>
#map = affine_map<(d0, d1) -> (0, 0)>
#map1 = affine_map<(d0, d1) -> (0)>
#map2 = affine_map<(d0, d1) -> (0, 0, 0)>
module attributes {stable_mosaic.version = 14 : i64} {
  func.func @_sc_aggregate(%arg0: i32, %arg1: i32, %arg2: memref<10000x128xf32, #tpu.memory_space<hbm>>, %arg3: memref<320000xi32, #tpu.memory_space<hbm>>, %arg4: memref<32x125x80xi32, #tpu.memory_space<hbm>>, %arg5: memref<632x128xf32, #tpu.memory_space<hbm>>, %arg6: memref<2x10112x128xf32, #tpu.memory_space<hbm>>, %arg7: memref<10000xi32, #tpu.memory_space<vmem>>, %arg8: memref<125x80xi32, #tpu.memory_space<vmem>>, %arg9: memref<80x128xf32, #tpu.memory_space<vmem>>, %arg10: memref<80x128xf32, #tpu.memory_space<vmem>>, %arg11: memref<!tpu.dma_semaphore, #tpu.memory_space<semaphore_mem>>, %arg12: memref<!tpu.dma_semaphore, #tpu.memory_space<semaphore_mem>>, %arg13: memref<!tpu.dma_semaphore, #tpu.memory_space<semaphore_mem>>, %arg14: memref<!tpu.dma_semaphore, #tpu.memory_space<semaphore_mem>>, %arg15: memref<!tpu.dma_semaphore, #tpu.memory_space<semaphore_mem>>, %arg16: memref<10112x128xf32, #tpu.memory_space<vmem_shared>>) attributes {dimension_semantics = [#tpu.dimension_semantics<core_parallel>, #tpu.dimension_semantics<subcore_parallel>], iteration_bounds = array<i64: 2, 16>, scalar_prefetch = 0 : i64, scratch_operands = 10 : i64, tpu.core_type = #tpu.core_type<sc_vector_subcore>, window_params = [{transform_indices = #map}, {transform_indices = #map1}, {transform_indices = #map2}, {transform_indices = #map}, {transform_indices = #map2}]} {
    %mul3A = arith.constant 16 : i32
    %mul3A_0 = arith.muli %arg0, %mul3A : i32
    %add3A = arith.addi %mul3A_0, %arg1 : i32
    %mul3A_1 = arith.constant 632 : i32
    %mul3A_2 = arith.muli %arg1, %mul3A_1 : i32
    %dma_start3A = arith.constant 0 : i32
    %dma_start3A_3 = tpu.memref_slice %arg16[%mul3A_2, %dma_start3A] : memref<10112x128xf32, #tpu.memory_space<vmem_shared>> -> memref<632x128xf32, #tpu.memory_space<vmem_shared>>
    tpu.enqueue_dma source(%arg5 : memref<632x128xf32, #tpu.memory_space<hbm>>) target(%dma_start3A_3 : memref<632x128xf32, #tpu.memory_space<vmem_shared>>) target_semaphore(%arg13 : memref<!tpu.dma_semaphore, #tpu.memory_space<semaphore_mem>>)
    %mul3A_4 = arith.constant 10000 : i32
    %mul3A_5 = arith.muli %add3A, %mul3A_4 : i32
    %dma_start3A_6 = tpu.memref_slice %arg3[%mul3A_5] : memref<320000xi32, #tpu.memory_space<hbm>> -> memref<10000xi32, #tpu.memory_space<hbm>>
    %dma_start3A_7 = tpu.memref_slice %arg3[%mul3A_5] : memref<320000xi32, #tpu.memory_space<hbm>> -> memref<10000xi32, #tpu.memory_space<hbm>>
    tpu.enqueue_dma source(%dma_start3A_7 : memref<10000xi32, #tpu.memory_space<hbm>>) target(%arg7 : memref<10000xi32, #tpu.memory_space<vmem>>) target_semaphore(%arg14 : memref<!tpu.dma_semaphore, #tpu.memory_space<semaphore_mem>>)
    %dma_start3A_8 = arith.constant 0 : i32
    %dma_start3A_9 = arith.constant 0 : i32
    %dma_start3A_10 = tpu.memref_slice %arg4[%add3A, %dma_start3A_8, %dma_start3A_9] : memref<32x125x80xi32, #tpu.memory_space<hbm>> -> memref<1x125x80xi32, #tpu.memory_space<hbm>>
    %dma_start3A_11 = tpu.memref_squeeze %dma_start3A_10 : memref<1x125x80xi32, #tpu.memory_space<hbm>> -> memref<125x80xi32, #tpu.memory_space<hbm>>
    %dma_start3A_12 = arith.constant 0 : i32
    %dma_start3A_13 = arith.constant 0 : i32
    %dma_start3A_14 = tpu.memref_slice %arg4[%add3A, %dma_start3A_12, %dma_start3A_13] : memref<32x125x80xi32, #tpu.memory_space<hbm>> -> memref<1x125x80xi32, #tpu.memory_space<hbm>>
    %dma_start3A_15 = tpu.memref_squeeze %dma_start3A_14 : memref<1x125x80xi32, #tpu.memory_space<hbm>> -> memref<125x80xi32, #tpu.memory_space<hbm>>
    tpu.enqueue_dma source(%dma_start3A_15 : memref<125x80xi32, #tpu.memory_space<hbm>>) target(%arg8 : memref<125x80xi32, #tpu.memory_space<vmem>>) target_semaphore(%arg15 : memref<!tpu.dma_semaphore, #tpu.memory_space<semaphore_mem>>)
    %dma_wait3A = tpu.memref_slice %arg3[%mul3A_5] : memref<320000xi32, #tpu.memory_space<hbm>> -> memref<10000xi32, #tpu.memory_space<hbm>>
    %dma_wait3A_16 = tpu.memref_slice %arg3[%mul3A_5] : memref<320000xi32, #tpu.memory_space<hbm>> -> memref<10000xi32, #tpu.memory_space<hbm>>
    tpu.wait_dma2 semaphore(%arg14 : memref<!tpu.dma_semaphore, #tpu.memory_space<semaphore_mem>>) src(%dma_wait3A_16 : memref<10000xi32, #tpu.memory_space<hbm>>) dst(%arg7 : memref<10000xi32, #tpu.memory_space<vmem>>)
    %dma_start3A_17 = arith.constant 0 : i32
    %dma_start3A_18 = tpu.memref_slice %arg7[%dma_start3A_17] : memref<10000xi32, #tpu.memory_space<vmem>> -> memref<80xi32, #tpu.memory_space<vmem>>
    %dma_start3A_19 = arith.constant 0 : i32
    %dma_start3A_20 = arith.constant 0 : i32
    %dma_start3A_21 = tpu.memref_slice %arg2[%dma_start3A_19, %dma_start3A_20] : memref<10000x128xf32, #tpu.memory_space<hbm>> -> memref<10000x128xf32, #tpu.memory_space<hbm>>
    tpu.enqueue_indirect_dma source(%dma_start3A_21 : memref<10000x128xf32, #tpu.memory_space<hbm>>) target(%arg9 : memref<80x128xf32, #tpu.memory_space<vmem>>) offsets(%dma_start3A_18 : memref<80xi32, #tpu.memory_space<vmem>>) semaphore(%arg11 : memref<!tpu.dma_semaphore, #tpu.memory_space<semaphore_mem>>)
    %dma_wait3A_22 = arith.constant 0 : i32
    %dma_wait3A_23 = tpu.memref_slice %arg16[%mul3A_2, %dma_wait3A_22] : memref<10112x128xf32, #tpu.memory_space<vmem_shared>> -> memref<632x128xf32, #tpu.memory_space<vmem_shared>>
    tpu.wait_dma2 semaphore(%arg13 : memref<!tpu.dma_semaphore, #tpu.memory_space<semaphore_mem>>) src(%arg5 : memref<632x128xf32, #tpu.memory_space<hbm>>) dst(%dma_wait3A_23 : memref<632x128xf32, #tpu.memory_space<vmem_shared>>)
    %dma_wait3A_24 = arith.constant 0 : i32
    %dma_wait3A_25 = arith.constant 0 : i32
    %dma_wait3A_26 = tpu.memref_slice %arg4[%add3A, %dma_wait3A_24, %dma_wait3A_25] : memref<32x125x80xi32, #tpu.memory_space<hbm>> -> memref<1x125x80xi32, #tpu.memory_space<hbm>>
    %dma_wait3A_27 = tpu.memref_squeeze %dma_wait3A_26 : memref<1x125x80xi32, #tpu.memory_space<hbm>> -> memref<125x80xi32, #tpu.memory_space<hbm>>
    %dma_wait3A_28 = arith.constant 0 : i32
    %dma_wait3A_29 = arith.constant 0 : i32
    %dma_wait3A_30 = tpu.memref_slice %arg4[%add3A, %dma_wait3A_28, %dma_wait3A_29] : memref<32x125x80xi32, #tpu.memory_space<hbm>> -> memref<1x125x80xi32, #tpu.memory_space<hbm>>
    %dma_wait3A_31 = tpu.memref_squeeze %dma_wait3A_30 : memref<1x125x80xi32, #tpu.memory_space<hbm>> -> memref<125x80xi32, #tpu.memory_space<hbm>>
    tpu.wait_dma2 semaphore(%arg15 : memref<!tpu.dma_semaphore, #tpu.memory_space<semaphore_mem>>) src(%dma_wait3A_31 : memref<125x80xi32, #tpu.memory_space<hbm>>) dst(%arg8 : memref<125x80xi32, #tpu.memory_space<vmem>>)
    %barrier3A = arith.constant 0 : index
    tpu.barrier barrier_id(%barrier3A)
    %dma_wait3A_32 = arith.constant 0 : i32
    %dma_wait3A_33 = tpu.memref_slice %arg7[%dma_wait3A_32] : memref<10000xi32, #tpu.memory_space<vmem>> -> memref<80xi32, #tpu.memory_space<vmem>>
    %dma_wait3A_34 = arith.constant 0 : i32
    %dma_wait3A_35 = arith.constant 0 : i32
    %dma_wait3A_36 = tpu.memref_slice %arg2[%dma_wait3A_34, %dma_wait3A_35] : memref<10000x128xf32, #tpu.memory_space<hbm>> -> memref<10000x128xf32, #tpu.memory_space<hbm>>
    tpu.wait_indirect_dma semaphore(%arg11 : memref<!tpu.dma_semaphore, #tpu.memory_space<semaphore_mem>>) src(%dma_wait3A_36 : memref<10000x128xf32, #tpu.memory_space<hbm>>) dst(%arg9 : memref<80x128xf32, #tpu.memory_space<vmem>>)
    %run_scoped3A = arith.constant 0 : i32
    "tpu.region"() ({
      %run_scoped3A_70 = tpu.sem_alloc : memref<!tpu.dma_semaphore, #tpu.memory_space<semaphore_mem>>
      %dma_start3A_71 = arith.constant 0 : i32
      %dma_start3A_72 = tpu.memref_slice %arg8[%run_scoped3A, %dma_start3A_71] : memref<125x80xi32, #tpu.memory_space<vmem>> -> memref<1x80xi32, #tpu.memory_space<vmem>>
      %dma_start3A_73 = tpu.memref_squeeze %dma_start3A_72 : memref<1x80xi32, #tpu.memory_space<vmem>> -> memref<80xi32, #tpu.memory_space<vmem>>
      %dma_start3A_74 = arith.constant 0 : i32
      %dma_start3A_75 = arith.constant 0 : i32
      %dma_start3A_76 = tpu.memref_slice %arg16[%dma_start3A_74, %dma_start3A_75] : memref<10112x128xf32, #tpu.memory_space<vmem_shared>> -> memref<10112x128xf32, #tpu.memory_space<vmem_shared>>
      tpu.enqueue_indirect_dma source(%arg9 : memref<80x128xf32, #tpu.memory_space<vmem>>) target(%dma_start3A_76 : memref<10112x128xf32, #tpu.memory_space<vmem_shared>>) offsets(%dma_start3A_73 : memref<80xi32, #tpu.memory_space<vmem>>) semaphore(%run_scoped3A_70 : memref<!tpu.dma_semaphore, #tpu.memory_space<semaphore_mem>>) {add = true}
      %dma_wait3A_77 = arith.constant 0 : i32
      %dma_wait3A_78 = tpu.memref_slice %arg8[%run_scoped3A, %dma_wait3A_77] : memref<125x80xi32, #tpu.memory_space<vmem>> -> memref<1x80xi32, #tpu.memory_space<vmem>>
      %dma_wait3A_79 = tpu.memref_squeeze %dma_wait3A_78 : memref<1x80xi32, #tpu.memory_space<vmem>> -> memref<80xi32, #tpu.memory_space<vmem>>
      %dma_wait3A_80 = arith.constant 0 : i32
      %dma_wait3A_81 = arith.constant 0 : i32
      %dma_wait3A_82 = tpu.memref_slice %arg16[%dma_wait3A_80, %dma_wait3A_81] : memref<10112x128xf32, #tpu.memory_space<vmem_shared>> -> memref<10112x128xf32, #tpu.memory_space<vmem_shared>>
      tpu.wait_indirect_dma semaphore(%run_scoped3A_70 : memref<!tpu.dma_semaphore, #tpu.memory_space<semaphore_mem>>) src(%arg9 : memref<80x128xf32, #tpu.memory_space<vmem>>) dst(%dma_wait3A_82 : memref<10112x128xf32, #tpu.memory_space<vmem_shared>>)
      tpu.yield
    }) : () -> ()
    %dma_start3A_37 = arith.constant 80 : i32
    %dma_start3A_38 = tpu.memref_slice %arg7[%dma_start3A_37] : memref<10000xi32, #tpu.memory_space<vmem>> -> memref<80xi32, #tpu.memory_space<vmem>>
    %dma_start3A_39 = arith.constant 0 : i32
    %dma_start3A_40 = arith.constant 0 : i32
    %dma_start3A_41 = tpu.memref_slice %arg2[%dma_start3A_39, %dma_start3A_40] : memref<10000x128xf32, #tpu.memory_space<hbm>> -> memref<10000x128xf32, #tpu.memory_space<hbm>>
    tpu.enqueue_indirect_dma source(%dma_start3A_41 : memref<10000x128xf32, #tpu.memory_space<hbm>>) target(%arg9 : memref<80x128xf32, #tpu.memory_space<vmem>>) offsets(%dma_start3A_38 : memref<80xi32, #tpu.memory_space<vmem>>) semaphore(%arg11 : memref<!tpu.dma_semaphore, #tpu.memory_space<semaphore_mem>>)
    %dma_start3A_42 = arith.constant 160 : i32
    %dma_start3A_43 = tpu.memref_slice %arg7[%dma_start3A_42] : memref<10000xi32, #tpu.memory_space<vmem>> -> memref<80xi32, #tpu.memory_space<vmem>>
    %dma_start3A_44 = arith.constant 0 : i32
    %dma_start3A_45 = arith.constant 0 : i32
    %dma_start3A_46 = tpu.memref_slice %arg2[%dma_start3A_44, %dma_start3A_45] : memref<10000x128xf32, #tpu.memory_space<hbm>> -> memref<10000x128xf32, #tpu.memory_space<hbm>>
    tpu.enqueue_indirect_dma source(%dma_start3A_46 : memref<10000x128xf32, #tpu.memory_space<hbm>>) target(%arg10 : memref<80x128xf32, #tpu.memory_space<vmem>>) offsets(%dma_start3A_43 : memref<80xi32, #tpu.memory_space<vmem>>) semaphore(%arg12 : memref<!tpu.dma_semaphore, #tpu.memory_space<semaphore_mem>>)
    %scan3A = arith.constant 0 : i32
    %scan3A_47 = arith.constant 0 : i32
    %scan3A_48 = arith.constant 61 : i32
    %scan3A_49 = arith.addi %scan3A_47, %scan3A_48 : i32
    %scan3A_50 = arith.constant 1 : i32
    scf.for %scan3A_70 = %scan3A_47 to %scan3A_49 step %scan3A_50  : i32 {
      %mul3A_71 = arith.constant 2 : i32
      %mul3A_72 = arith.muli %scan3A_70, %mul3A_71 : i32
      %add3A_73 = arith.constant 1 : i32
      %add3A_74 = arith.addi %add3A_73, %mul3A_72 : i32
      %add3A_75 = arith.constant 0 : i32
      %add3A_76 = arith.addi %add3A_74, %add3A_75 : i32
      %mul3A_77 = arith.constant 80 : i32
      %mul3A_78 = arith.muli %add3A_76, %mul3A_77 : i32
      %dma_wait3A_79 = tpu.memref_slice %arg7[%mul3A_78] : memref<10000xi32, #tpu.memory_space<vmem>> -> memref<80xi32, #tpu.memory_space<vmem>>
      %dma_wait3A_80 = arith.constant 0 : i32
      %dma_wait3A_81 = arith.constant 0 : i32
      %dma_wait3A_82 = tpu.memref_slice %arg2[%dma_wait3A_80, %dma_wait3A_81] : memref<10000x128xf32, #tpu.memory_space<hbm>> -> memref<10000x128xf32, #tpu.memory_space<hbm>>
      tpu.wait_indirect_dma semaphore(%arg11 : memref<!tpu.dma_semaphore, #tpu.memory_space<semaphore_mem>>) src(%dma_wait3A_82 : memref<10000x128xf32, #tpu.memory_space<hbm>>) dst(%arg9 : memref<80x128xf32, #tpu.memory_space<vmem>>)
      "tpu.region"() ({
        %run_scoped3A_111 = tpu.sem_alloc : memref<!tpu.dma_semaphore, #tpu.memory_space<semaphore_mem>>
        %dma_start3A_112 = arith.constant 0 : i32
        %dma_start3A_113 = tpu.memref_slice %arg8[%add3A_76, %dma_start3A_112] : memref<125x80xi32, #tpu.memory_space<vmem>> -> memref<1x80xi32, #tpu.memory_space<vmem>>
        %dma_start3A_114 = tpu.memref_squeeze %dma_start3A_113 : memref<1x80xi32, #tpu.memory_space<vmem>> -> memref<80xi32, #tpu.memory_space<vmem>>
        %dma_start3A_115 = arith.constant 0 : i32
        %dma_start3A_116 = arith.constant 0 : i32
        %dma_start3A_117 = tpu.memref_slice %arg16[%dma_start3A_115, %dma_start3A_116] : memref<10112x128xf32, #tpu.memory_space<vmem_shared>> -> memref<10112x128xf32, #tpu.memory_space<vmem_shared>>
        tpu.enqueue_indirect_dma source(%arg9 : memref<80x128xf32, #tpu.memory_space<vmem>>) target(%dma_start3A_117 : memref<10112x128xf32, #tpu.memory_space<vmem_shared>>) offsets(%dma_start3A_114 : memref<80xi32, #tpu.memory_space<vmem>>) semaphore(%run_scoped3A_111 : memref<!tpu.dma_semaphore, #tpu.memory_space<semaphore_mem>>) {add = true}
        %dma_wait3A_118 = arith.constant 0 : i32
        %dma_wait3A_119 = tpu.memref_slice %arg8[%add3A_76, %dma_wait3A_118] : memref<125x80xi32, #tpu.memory_space<vmem>> -> memref<1x80xi32, #tpu.memory_space<vmem>>
        %dma_wait3A_120 = tpu.memref_squeeze %dma_wait3A_119 : memref<1x80xi32, #tpu.memory_space<vmem>> -> memref<80xi32, #tpu.memory_space<vmem>>
        %dma_wait3A_121 = arith.constant 0 : i32
        %dma_wait3A_122 = arith.constant 0 : i32
        %dma_wait3A_123 = tpu.memref_slice %arg16[%dma_wait3A_121, %dma_wait3A_122] : memref<10112x128xf32, #tpu.memory_space<vmem_shared>> -> memref<10112x128xf32, #tpu.memory_space<vmem_shared>>
        tpu.wait_indirect_dma semaphore(%run_scoped3A_111 : memref<!tpu.dma_semaphore, #tpu.memory_space<semaphore_mem>>) src(%arg9 : memref<80x128xf32, #tpu.memory_space<vmem>>) dst(%dma_wait3A_123 : memref<10112x128xf32, #tpu.memory_space<vmem_shared>>)
        tpu.yield
      }) : () -> ()
      %add3A_83 = arith.constant 2 : i32
      %add3A_84 = arith.addi %add3A_76, %add3A_83 : i32
      %mul3A_85 = arith.constant 80 : i32
      %mul3A_86 = arith.muli %add3A_84, %mul3A_85 : i32
      %dma_start3A_87 = tpu.memref_slice %arg7[%mul3A_86] : memref<10000xi32, #tpu.memory_space<vmem>> -> memref<80xi32, #tpu.memory_space<vmem>>
      %dma_start3A_88 = arith.constant 0 : i32
      %dma_start3A_89 = arith.constant 0 : i32
      %dma_start3A_90 = tpu.memref_slice %arg2[%dma_start3A_88, %dma_start3A_89] : memref<10000x128xf32, #tpu.memory_space<hbm>> -> memref<10000x128xf32, #tpu.memory_space<hbm>>
      tpu.enqueue_indirect_dma source(%dma_start3A_90 : memref<10000x128xf32, #tpu.memory_space<hbm>>) target(%arg9 : memref<80x128xf32, #tpu.memory_space<vmem>>) offsets(%dma_start3A_87 : memref<80xi32, #tpu.memory_space<vmem>>) semaphore(%arg11 : memref<!tpu.dma_semaphore, #tpu.memory_space<semaphore_mem>>)
      %mul3A_91 = arith.constant 2 : i32
      %mul3A_92 = arith.muli %scan3A_70, %mul3A_91 : i32
      %add3A_93 = arith.constant 1 : i32
      %add3A_94 = arith.addi %add3A_93, %mul3A_92 : i32
      %add3A_95 = arith.constant 1 : i32
      %add3A_96 = arith.addi %add3A_94, %add3A_95 : i32
      %mul3A_97 = arith.constant 80 : i32
      %mul3A_98 = arith.muli %add3A_96, %mul3A_97 : i32
      %dma_wait3A_99 = tpu.memref_slice %arg7[%mul3A_98] : memref<10000xi32, #tpu.memory_space<vmem>> -> memref<80xi32, #tpu.memory_space<vmem>>
      %dma_wait3A_100 = arith.constant 0 : i32
      %dma_wait3A_101 = arith.constant 0 : i32
      %dma_wait3A_102 = tpu.memref_slice %arg2[%dma_wait3A_100, %dma_wait3A_101] : memref<10000x128xf32, #tpu.memory_space<hbm>> -> memref<10000x128xf32, #tpu.memory_space<hbm>>
      tpu.wait_indirect_dma semaphore(%arg12 : memref<!tpu.dma_semaphore, #tpu.memory_space<semaphore_mem>>) src(%dma_wait3A_102 : memref<10000x128xf32, #tpu.memory_space<hbm>>) dst(%arg10 : memref<80x128xf32, #tpu.memory_space<vmem>>)
      "tpu.region"() ({
        %run_scoped3A_111 = tpu.sem_alloc : memref<!tpu.dma_semaphore, #tpu.memory_space<semaphore_mem>>
        %dma_start3A_112 = arith.constant 0 : i32
        %dma_start3A_113 = tpu.memref_slice %arg8[%add3A_96, %dma_start3A_112] : memref<125x80xi32, #tpu.memory_space<vmem>> -> memref<1x80xi32, #tpu.memory_space<vmem>>
        %dma_start3A_114 = tpu.memref_squeeze %dma_start3A_113 : memref<1x80xi32, #tpu.memory_space<vmem>> -> memref<80xi32, #tpu.memory_space<vmem>>
        %dma_start3A_115 = arith.constant 0 : i32
        %dma_start3A_116 = arith.constant 0 : i32
        %dma_start3A_117 = tpu.memref_slice %arg16[%dma_start3A_115, %dma_start3A_116] : memref<10112x128xf32, #tpu.memory_space<vmem_shared>> -> memref<10112x128xf32, #tpu.memory_space<vmem_shared>>
        tpu.enqueue_indirect_dma source(%arg10 : memref<80x128xf32, #tpu.memory_space<vmem>>) target(%dma_start3A_117 : memref<10112x128xf32, #tpu.memory_space<vmem_shared>>) offsets(%dma_start3A_114 : memref<80xi32, #tpu.memory_space<vmem>>) semaphore(%run_scoped3A_111 : memref<!tpu.dma_semaphore, #tpu.memory_space<semaphore_mem>>) {add = true}
        %dma_wait3A_118 = arith.constant 0 : i32
        %dma_wait3A_119 = tpu.memref_slice %arg8[%add3A_96, %dma_wait3A_118] : memref<125x80xi32, #tpu.memory_space<vmem>> -> memref<1x80xi32, #tpu.memory_space<vmem>>
        %dma_wait3A_120 = tpu.memref_squeeze %dma_wait3A_119 : memref<1x80xi32, #tpu.memory_space<vmem>> -> memref<80xi32, #tpu.memory_space<vmem>>
        %dma_wait3A_121 = arith.constant 0 : i32
        %dma_wait3A_122 = arith.constant 0 : i32
        %dma_wait3A_123 = tpu.memref_slice %arg16[%dma_wait3A_121, %dma_wait3A_122] : memref<10112x128xf32, #tpu.memory_space<vmem_shared>> -> memref<10112x128xf32, #tpu.memory_space<vmem_shared>>
        tpu.wait_indirect_dma semaphore(%run_scoped3A_111 : memref<!tpu.dma_semaphore, #tpu.memory_space<semaphore_mem>>) src(%arg10 : memref<80x128xf32, #tpu.memory_space<vmem>>) dst(%dma_wait3A_123 : memref<10112x128xf32, #tpu.memory_space<vmem_shared>>)
        tpu.yield
      }) : () -> ()
      %add3A_103 = arith.constant 2 : i32
      %add3A_104 = arith.addi %add3A_96, %add3A_103 : i32
      %mul3A_105 = arith.constant 80 : i32
      %mul3A_106 = arith.muli %add3A_104, %mul3A_105 : i32
      %dma_start3A_107 = tpu.memref_slice %arg7[%mul3A_106] : memref<10000xi32, #tpu.memory_space<vmem>> -> memref<80xi32, #tpu.memory_space<vmem>>
      %dma_start3A_108 = arith.constant 0 : i32
      %dma_start3A_109 = arith.constant 0 : i32
      %dma_start3A_110 = tpu.memref_slice %arg2[%dma_start3A_108, %dma_start3A_109] : memref<10000x128xf32, #tpu.memory_space<hbm>> -> memref<10000x128xf32, #tpu.memory_space<hbm>>
      tpu.enqueue_indirect_dma source(%dma_start3A_110 : memref<10000x128xf32, #tpu.memory_space<hbm>>) target(%arg10 : memref<80x128xf32, #tpu.memory_space<vmem>>) offsets(%dma_start3A_107 : memref<80xi32, #tpu.memory_space<vmem>>) semaphore(%arg12 : memref<!tpu.dma_semaphore, #tpu.memory_space<semaphore_mem>>)
    }
    %scan3A_51 = arith.constant 61 : i32
    %dma_wait3A_52 = arith.constant 9840 : i32
    %dma_wait3A_53 = tpu.memref_slice %arg7[%dma_wait3A_52] : memref<10000xi32, #tpu.memory_space<vmem>> -> memref<80xi32, #tpu.memory_space<vmem>>
    %dma_wait3A_54 = arith.constant 0 : i32
    %dma_wait3A_55 = arith.constant 0 : i32
    %dma_wait3A_56 = tpu.memref_slice %arg2[%dma_wait3A_54, %dma_wait3A_55] : memref<10000x128xf32, #tpu.memory_space<hbm>> -> memref<10000x128xf32, #tpu.memory_space<hbm>>
    tpu.wait_indirect_dma semaphore(%arg11 : memref<!tpu.dma_semaphore, #tpu.memory_space<semaphore_mem>>) src(%dma_wait3A_56 : memref<10000x128xf32, #tpu.memory_space<hbm>>) dst(%arg9 : memref<80x128xf32, #tpu.memory_space<vmem>>)
    %run_scoped3A_57 = arith.constant 123 : i32
    "tpu.region"() ({
      %run_scoped3A_70 = tpu.sem_alloc : memref<!tpu.dma_semaphore, #tpu.memory_space<semaphore_mem>>
      %dma_start3A_71 = arith.constant 0 : i32
      %dma_start3A_72 = tpu.memref_slice %arg8[%run_scoped3A_57, %dma_start3A_71] : memref<125x80xi32, #tpu.memory_space<vmem>> -> memref<1x80xi32, #tpu.memory_space<vmem>>
      %dma_start3A_73 = tpu.memref_squeeze %dma_start3A_72 : memref<1x80xi32, #tpu.memory_space<vmem>> -> memref<80xi32, #tpu.memory_space<vmem>>
      %dma_start3A_74 = arith.constant 0 : i32
      %dma_start3A_75 = arith.constant 0 : i32
      %dma_start3A_76 = tpu.memref_slice %arg16[%dma_start3A_74, %dma_start3A_75] : memref<10112x128xf32, #tpu.memory_space<vmem_shared>> -> memref<10112x128xf32, #tpu.memory_space<vmem_shared>>
      tpu.enqueue_indirect_dma source(%arg9 : memref<80x128xf32, #tpu.memory_space<vmem>>) target(%dma_start3A_76 : memref<10112x128xf32, #tpu.memory_space<vmem_shared>>) offsets(%dma_start3A_73 : memref<80xi32, #tpu.memory_space<vmem>>) semaphore(%run_scoped3A_70 : memref<!tpu.dma_semaphore, #tpu.memory_space<semaphore_mem>>) {add = true}
      %dma_wait3A_77 = arith.constant 0 : i32
      %dma_wait3A_78 = tpu.memref_slice %arg8[%run_scoped3A_57, %dma_wait3A_77] : memref<125x80xi32, #tpu.memory_space<vmem>> -> memref<1x80xi32, #tpu.memory_space<vmem>>
      %dma_wait3A_79 = tpu.memref_squeeze %dma_wait3A_78 : memref<1x80xi32, #tpu.memory_space<vmem>> -> memref<80xi32, #tpu.memory_space<vmem>>
      %dma_wait3A_80 = arith.constant 0 : i32
      %dma_wait3A_81 = arith.constant 0 : i32
      %dma_wait3A_82 = tpu.memref_slice %arg16[%dma_wait3A_80, %dma_wait3A_81] : memref<10112x128xf32, #tpu.memory_space<vmem_shared>> -> memref<10112x128xf32, #tpu.memory_space<vmem_shared>>
      tpu.wait_indirect_dma semaphore(%run_scoped3A_70 : memref<!tpu.dma_semaphore, #tpu.memory_space<semaphore_mem>>) src(%arg9 : memref<80x128xf32, #tpu.memory_space<vmem>>) dst(%dma_wait3A_82 : memref<10112x128xf32, #tpu.memory_space<vmem_shared>>)
      tpu.yield
    }) : () -> ()
    %dma_wait3A_58 = arith.constant 9920 : i32
    %dma_wait3A_59 = tpu.memref_slice %arg7[%dma_wait3A_58] : memref<10000xi32, #tpu.memory_space<vmem>> -> memref<80xi32, #tpu.memory_space<vmem>>
    %dma_wait3A_60 = arith.constant 0 : i32
    %dma_wait3A_61 = arith.constant 0 : i32
    %dma_wait3A_62 = tpu.memref_slice %arg2[%dma_wait3A_60, %dma_wait3A_61] : memref<10000x128xf32, #tpu.memory_space<hbm>> -> memref<10000x128xf32, #tpu.memory_space<hbm>>
    tpu.wait_indirect_dma semaphore(%arg12 : memref<!tpu.dma_semaphore, #tpu.memory_space<semaphore_mem>>) src(%dma_wait3A_62 : memref<10000x128xf32, #tpu.memory_space<hbm>>) dst(%arg10 : memref<80x128xf32, #tpu.memory_space<vmem>>)
    %run_scoped3A_63 = arith.constant 124 : i32
    "tpu.region"() ({
      %run_scoped3A_70 = tpu.sem_alloc : memref<!tpu.dma_semaphore, #tpu.memory_space<semaphore_mem>>
      %dma_start3A_71 = arith.constant 0 : i32
      %dma_start3A_72 = tpu.memref_slice %arg8[%run_scoped3A_63, %dma_start3A_71] : memref<125x80xi32, #tpu.memory_space<vmem>> -> memref<1x80xi32, #tpu.memory_space<vmem>>
      %dma_start3A_73 = tpu.memref_squeeze %dma_start3A_72 : memref<1x80xi32, #tpu.memory_space<vmem>> -> memref<80xi32, #tpu.memory_space<vmem>>
      %dma_start3A_74 = arith.constant 0 : i32
      %dma_start3A_75 = arith.constant 0 : i32
      %dma_start3A_76 = tpu.memref_slice %arg16[%dma_start3A_74, %dma_start3A_75] : memref<10112x128xf32, #tpu.memory_space<vmem_shared>> -> memref<10112x128xf32, #tpu.memory_space<vmem_shared>>
      tpu.enqueue_indirect_dma source(%arg10 : memref<80x128xf32, #tpu.memory_space<vmem>>) target(%dma_start3A_76 : memref<10112x128xf32, #tpu.memory_space<vmem_shared>>) offsets(%dma_start3A_73 : memref<80xi32, #tpu.memory_space<vmem>>) semaphore(%run_scoped3A_70 : memref<!tpu.dma_semaphore, #tpu.memory_space<semaphore_mem>>) {add = true}
      %dma_wait3A_77 = arith.constant 0 : i32
      %dma_wait3A_78 = tpu.memref_slice %arg8[%run_scoped3A_63, %dma_wait3A_77] : memref<125x80xi32, #tpu.memory_space<vmem>> -> memref<1x80xi32, #tpu.memory_space<vmem>>
      %dma_wait3A_79 = tpu.memref_squeeze %dma_wait3A_78 : memref<1x80xi32, #tpu.memory_space<vmem>> -> memref<80xi32, #tpu.memory_space<vmem>>
      %dma_wait3A_80 = arith.constant 0 : i32
      %dma_wait3A_81 = arith.constant 0 : i32
      %dma_wait3A_82 = tpu.memref_slice %arg16[%dma_wait3A_80, %dma_wait3A_81] : memref<10112x128xf32, #tpu.memory_space<vmem_shared>> -> memref<10112x128xf32, #tpu.memory_space<vmem_shared>>
      tpu.wait_indirect_dma semaphore(%run_scoped3A_70 : memref<!tpu.dma_semaphore, #tpu.memory_space<semaphore_mem>>) src(%arg10 : memref<80x128xf32, #tpu.memory_space<vmem>>) dst(%dma_wait3A_82 : memref<10112x128xf32, #tpu.memory_space<vmem_shared>>)
      tpu.yield
    }) : () -> ()
    %barrier3A_64 = arith.constant 0 : index
    tpu.barrier barrier_id(%barrier3A_64)
    %delay3A = arith.constant 2048 : i32
    tpu.delay %delay3A
    %barrier3A_65 = arith.constant 0 : index
    tpu.barrier barrier_id(%barrier3A_65)
    %mul3A_66 = arith.constant 632 : i32
    %mul3A_67 = arith.muli %arg1, %mul3A_66 : i32
    %mul3A_68 = arith.constant 632 : i32
    %mul3A_69 = arith.muli %arg1, %mul3A_68 : i32
    "tpu.region"() ({
      %run_scoped3A_70 = tpu.sem_alloc : memref<!tpu.dma_semaphore, #tpu.memory_space<semaphore_mem>>
      %dma_start3A_71 = arith.constant 0 : i32
      %dma_start3A_72 = tpu.memref_slice %arg6[%arg0, %mul3A_69, %dma_start3A_71] : memref<2x10112x128xf32, #tpu.memory_space<hbm>> -> memref<1x632x128xf32, #tpu.memory_space<hbm>>
      %dma_start3A_73 = tpu.memref_squeeze %dma_start3A_72 : memref<1x632x128xf32, #tpu.memory_space<hbm>> -> memref<632x128xf32, #tpu.memory_space<hbm>>
      %dma_start3A_74 = arith.constant 0 : i32
      %dma_start3A_75 = tpu.memref_slice %arg16[%mul3A_67, %dma_start3A_74] : memref<10112x128xf32, #tpu.memory_space<vmem_shared>> -> memref<632x128xf32, #tpu.memory_space<vmem_shared>>
      tpu.enqueue_dma source(%dma_start3A_75 : memref<632x128xf32, #tpu.memory_space<vmem_shared>>) target(%dma_start3A_73 : memref<632x128xf32, #tpu.memory_space<hbm>>) target_semaphore(%run_scoped3A_70 : memref<!tpu.dma_semaphore, #tpu.memory_space<semaphore_mem>>)
      %dma_wait3A_76 = arith.constant 0 : i32
      %dma_wait3A_77 = tpu.memref_slice %arg6[%arg0, %mul3A_69, %dma_wait3A_76] : memref<2x10112x128xf32, #tpu.memory_space<hbm>> -> memref<1x632x128xf32, #tpu.memory_space<hbm>>
      %dma_wait3A_78 = tpu.memref_squeeze %dma_wait3A_77 : memref<1x632x128xf32, #tpu.memory_space<hbm>> -> memref<632x128xf32, #tpu.memory_space<hbm>>
      %dma_wait3A_79 = arith.constant 0 : i32
      %dma_wait3A_80 = tpu.memref_slice %arg16[%mul3A_67, %dma_wait3A_79] : memref<10112x128xf32, #tpu.memory_space<vmem_shared>> -> memref<632x128xf32, #tpu.memory_space<vmem_shared>>
      tpu.wait_dma2 semaphore(%run_scoped3A_70 : memref<!tpu.dma_semaphore, #tpu.memory_space<semaphore_mem>>) src(%dma_wait3A_80 : memref<632x128xf32, #tpu.memory_space<vmem_shared>>) dst(%dma_wait3A_78 : memref<632x128xf32, #tpu.memory_space<hbm>>)
      tpu.yield
    }) : () -> ()
    return
  }
}

module attributes {stable_mosaic.version = 14 : i64} {
  func.func @_root_body(%arg0: i32, %arg1: memref<1000x128xf32, #tpu.memory_space<vmem>>, %arg2: memref<128x128xf32, #tpu.memory_space<vmem>>, %arg3: memref<1x128xf32, #tpu.memory_space<vmem>>, %arg4: memref<1000x128xf32, #tpu.memory_space<vmem>>) attributes {dimension_semantics = [#tpu.dimension_semantics<arbitrary>], iteration_bounds = array<i64: 10>, scalar_prefetch = 0 : i64, scratch_operands = 0 : i64, tpu.core_type = #tpu.core_type<tc>, window_params = [{transform_indices = @transform_0, window_bounds = array<i64: 1000, 128>}, {pipeline_mode = #tpu.pipeline_mode<synchronous>, transform_indices = @transform_1, window_bounds = array<i64: 128, 128>}, {pipeline_mode = #tpu.pipeline_mode<synchronous>, transform_indices = @transform_2, window_bounds = array<i64: 1, 128>}, {transform_indices = @transform_3, window_bounds = array<i64: 1000, 128>}]} {
    %get3A = arith.constant 0 : index
    %get3A_0 = arith.constant 0 : index
    %get3A_1 = vector.load %arg1[%get3A, %get3A_0] : memref<1000x128xf32, #tpu.memory_space<vmem>>, vector<1000x128xf32>
    %get3A_2 = arith.constant 0 : index
    %get3A_3 = arith.constant 0 : index
    %get3A_4 = vector.load %arg2[%get3A_2, %get3A_3] : memref<128x128xf32, #tpu.memory_space<vmem>>, vector<128x128xf32>
    %dot_general3A = arith.constant dense<0.000000e+00> : vector<1000x128xf32>
    %dot_general3A_5 = tpu.matmul %get3A_1, %get3A_4, %dot_general3A {dimension_numbers = #tpu.dot_dimension_numbers<[1], [0], [0], [1], [0, 0, 1, 1], [], []>, transpose_lhs_hint = false} : vector<1000x128xf32>, vector<128x128xf32>, vector<1000x128xf32> -> vector<1000x128xf32>
    %get3A_6 = arith.constant 0 : index
    %get3A_7 = arith.constant 0 : index
    %get3A_8 = vector.load %arg3[%get3A_6, %get3A_7] : memref<1x128xf32, #tpu.memory_space<vmem>>, vector<1x128xf32>
    %add3A = vector.broadcast %get3A_8 : vector<1x128xf32> to vector<1000x128xf32>
    %add3A_9 = arith.addf %dot_general3A_5, %add3A : vector<1000x128xf32>
    %swap3A = arith.constant 0 : index
    %swap3A_10 = arith.constant 0 : index
    %swap3A_11 = vector.load %arg4[%swap3A, %swap3A_10] : memref<1000x128xf32, #tpu.memory_space<vmem>>, vector<1000x128xf32>
    tpu.vector_store %arg4[%swap3A, %swap3A_10], %add3A_9 {strides = array<i32>} : memref<1000x128xf32, #tpu.memory_space<vmem>>, vector<1000x128xf32>,
    return
  }
  func.func @transform_0(%arg0: i32) -> (i32, i32) {
    %c0_i32 = arith.constant 0 : i32
    %c0_i32_0 = arith.constant 0 : i32
    return %arg0, %c0_i32 : i32, i32
  }
  func.func @transform_1(%arg0: i32) -> (i32, i32) {
    %c0_i32 = arith.constant 0 : i32
    %c0_i32_0 = arith.constant 0 : i32
    %c0_i32_1 = arith.constant 0 : i32
    return %c0_i32, %c0_i32_0 : i32, i32
  }
  func.func @transform_2(%arg0: i32) -> (i32, i32) {
    %c0_i32 = arith.constant 0 : i32
    %c0_i32_0 = arith.constant 0 : i32
    %c0_i32_1 = arith.constant 0 : i32
    return %c0_i32, %c0_i32_0 : i32, i32
  }
  func.func @transform_3(%arg0: i32) -> (i32, i32) {
    %c0_i32 = arith.constant 0 : i32
    %c0_i32_0 = arith.constant 0 : i32
    return %arg0, %c0_i32 : i32, i32
  }
}

module attributes {stable_mosaic.version = 14 : i64} {
  func.func @_combine_body(%arg0: i32, %arg1: memref<1000x128xf32, #tpu.memory_space<vmem>>, %arg2: memref<1000x128xf32, #tpu.memory_space<vmem>>, %arg3: memref<1000x128xf32, #tpu.memory_space<vmem>>, %arg4: memref<128x128xf32, #tpu.memory_space<vmem>>, %arg5: memref<1000x128xf32, #tpu.memory_space<vmem>>) attributes {dimension_semantics = [#tpu.dimension_semantics<arbitrary>], iteration_bounds = array<i64: 10>, scalar_prefetch = 0 : i64, scratch_operands = 0 : i64, tpu.core_type = #tpu.core_type<tc>, window_params = [{transform_indices = @transform_0, window_bounds = array<i64: 1000, 128>}, {transform_indices = @transform_1, window_bounds = array<i64: 1000, 128>}, {transform_indices = @transform_2, window_bounds = array<i64: 1000, 128>}, {pipeline_mode = #tpu.pipeline_mode<synchronous>, transform_indices = @transform_3, window_bounds = array<i64: 128, 128>}, {transform_indices = @transform_4, window_bounds = array<i64: 1000, 128>}]} {
    %get3A = arith.constant 0 : index
    %get3A_0 = arith.constant 0 : index
    %get3A_1 = vector.load %arg1[%get3A, %get3A_0] : memref<1000x128xf32, #tpu.memory_space<vmem>>, vector<1000x128xf32>
    %get3A_2 = arith.constant 0 : index
    %get3A_3 = arith.constant 0 : index
    %get3A_4 = vector.load %arg2[%get3A_2, %get3A_3] : memref<1000x128xf32, #tpu.memory_space<vmem>>, vector<1000x128xf32>
    %add3A = arith.addf %get3A_1, %get3A_4 : vector<1000x128xf32>
    %get3A_5 = arith.constant 0 : index
    %get3A_6 = arith.constant 0 : index
    %get3A_7 = vector.load %arg4[%get3A_5, %get3A_6] : memref<128x128xf32, #tpu.memory_space<vmem>>, vector<128x128xf32>
    %dot_general3A = arith.constant dense<0.000000e+00> : vector<1000x128xf32>
    %dot_general3A_8 = tpu.matmul %add3A, %get3A_7, %dot_general3A {dimension_numbers = #tpu.dot_dimension_numbers<[1], [0], [0], [1], [0, 0, 1, 1], [], []>, transpose_lhs_hint = false} : vector<1000x128xf32>, vector<128x128xf32>, vector<1000x128xf32> -> vector<1000x128xf32>
    %get3A_9 = arith.constant 0 : index
    %get3A_10 = arith.constant 0 : index
    %get3A_11 = vector.load %arg3[%get3A_9, %get3A_10] : memref<1000x128xf32, #tpu.memory_space<vmem>>, vector<1000x128xf32>
    %add3A_12 = arith.addf %dot_general3A_8, %get3A_11 : vector<1000x128xf32>
    %max3A = arith.constant 0.000000e+00 : f32
    %max3A_13 = vector.broadcast %max3A : f32 to vector<1000x128xf32>
    %max3A_14 = arith.maximumf %add3A_12, %max3A_13 : vector<1000x128xf32>
    %swap3A = arith.constant 0 : index
    %swap3A_15 = arith.constant 0 : index
    %swap3A_16 = vector.load %arg5[%swap3A, %swap3A_15] : memref<1000x128xf32, #tpu.memory_space<vmem>>, vector<1000x128xf32>
    tpu.vector_store %arg5[%swap3A, %swap3A_15], %max3A_14 {strides = array<i32>} : memref<1000x128xf32, #tpu.memory_space<vmem>>, vector<1000x128xf32>,
    return
  }
  func.func @transform_0(%arg0: i32) -> (i32, i32) {
    %c0_i32 = arith.constant 0 : i32
    %c0_i32_0 = arith.constant 0 : i32
    return %arg0, %c0_i32 : i32, i32
  }
  func.func @transform_1(%arg0: i32) -> (i32, i32) {
    %c0_i32 = arith.constant 0 : i32
    %c0_i32_0 = arith.constant 0 : i32
    return %arg0, %c0_i32 : i32, i32
  }
  func.func @transform_2(%arg0: i32) -> (i32, i32) {
    %c0_i32 = arith.constant 0 : i32
    %c0_i32_0 = arith.constant 0 : i32
    return %arg0, %c0_i32 : i32, i32
  }
  func.func @transform_3(%arg0: i32) -> (i32, i32) {
    %c0_i32 = arith.constant 0 : i32
    %c0_i32_0 = arith.constant 0 : i32
    %c0_i32_1 = arith.constant 0 : i32
    return %c0_i32, %c0_i32_0 : i32, i32
  }
  func.func @transform_4(%arg0: i32) -> (i32, i32) {
    %c0_i32 = arith.constant 0 : i32
    %c0_i32_0 = arith.constant 0 : i32
    return %arg0, %c0_i32 : i32, i32
  }
}

</mosaic_0001>

<sc_bundles>
// kernel: kernel.5.cloned.1.call-start
scs
__scs_entry_jumppad:
0x0: {  	(pc) =	sbr.rel $0x88, $3  }
0x1: {  	(tag) =	ssettag $0x0;
	lr =	simm.s32 $0x1  }
0x2: {  	[smem:$0x3F9C] =	sst lr;
	_ =	strace $0xD0000000  }
0x3: {  	_ = 	snop  }
0x4: {  	_ = 	snop  }
0x5: {  	_ = 	snop  }
0x6: {  	_ = 	snop  }
0x7: {  	_ = 	snop  }
__scs_overlays_trampoline_lowered:
0x8: {  	[smem:$0x3FAB] =	sst s0  }
0x9: {  	[smem:$0x3FAC] =	sst s1  }
0xa: {  	[smem:$0x3FAD] =	sst s2  }
0xb: {  	[smem:$0x3FAE] =	sst s3  }
0xc: {  	[smem:$0x3FAF] =	sst s4  }
0xd: {  	[smem:$0x3FB0] =	sst s5  }
0xe: {  	[smem:$0x3FB1] =	sst s6  }
0xf: {  	[smem:$0x3FB2] =	sst s7  }
0x10: {  	[smem:$0x3FB3] =	sst s8  }
0x11: {  	[smem:$0x3FB4] =	sst s9;
	s0 =	simm.s32 @!p0 $0x0  }
0x12: {  	s1 =	sld [smem:$0x3F9A];
	s0 =	simm.s32 @p0 $0x1  }
0x13: {  	[smem:$0x3FB5] =	sst s0;
	s0 =	simm.s32 @!p1 $0x0  }
0x14: {  	s2 =	sld [smem:$0x3F99];
	s0 =	simm.s32 @p1 $0x1  }
0x15: {  	[smem:$0x3FB6] =	sst s0;
	s0 =	simm.s32 @!p2 $0x0  }
0x16: {  	s3 =	sld [smem:$0x3FDB];
	s0 =	simm.s32 @p2 $0x1  }
0x17: {  	s4 =	simm.s32 $0x1BF5;
	[smem:$0x3FB8] =	sst s0  }
0x18: {  	s0 =	sld [smem:$0x3F9B];
	_ =	swait.ge [sflag:s4], $0x0  }
0x19: {  	s7 =	sld [smem:$0x3F9C]  }
0x1a: {  	s8 =	sadd.s32 $0xFFFFE003, lr  }
0x1b: {  	s9 =	sadd.s32 $0xFFFFFEF7, lr;
	s5 =	simm.s32 $0xFFFFFFFF;
	p2 =	slt.u32 s8, $0xFFFFF086  }
0x1c: {  	p1 =	slt.u32 s9, $0xF7A;
	s5 =	simm.s32 @!p2 $0x0  }
0x1d: {  	s5 =	simm.s32 @p1 $0x1;
	p0 =	seq.s32 s7, s2  }
0x1e: {  	s7 =	smul.u32 @!p0 $0xF7A, s2;
	p2 =	seq.s32 @!p0 s5, $0x0  }
0x1f: {  	s9 =	smul.u32 $0xF7A, s1;
	s8 =	simm.s32 @!p0 $0x1BF5;
	p2 =	por !p2, p0  }
0x20: {  	[sflag:s8] =	ssyncset.s32 @!p0 $0xFFFFF086;
	s6 =	sadd.s32 @!p0 s3, s7;
	s7 =	simm.s32 @!p0 $0x108  }
0x21: {  	s3 =	sadd.s32 s3, s9;
	s6 =	sadd.s32 @!p0 $0x88, s6;
	s7 =	simm.s32 @p2 $0x1082  }
0x22: {  	[simem:s7], [sflag:s8] =	dma.local @!p0 [hbm:s6], $0xF7A  }
0x23: {  	s9 =	sor.u32 $0xD0000000, s2;
	s6 =	simm.s32 $0x108;
	_ =	swait.ge @!p0 [sflag:s8], $0x0  }
0x24: {  	s3 =	sadd.s32 $0x88, s3;
	s6 =	simm.s32 @!p1 $0x1082;
	[sflag:s4] =	ssyncset.s32 $0xFFFFF086  }
0x25: {  	[simem:s6], [sflag:s4] =	dma.local [hbm:s3], $0xF7A  }
0x26: {  	[smem:$0x3F9C] =	sst s1;
	(tag) =	ssettag s2;
	_ =	strace s9  }
0x27: {  	s1 =	sld [smem:$0x3FAC]  }
0x28: {  	s2 =	sld [smem:$0x3FAD]  }
0x29: {  	s4 =	sld [smem:$0x3FAF]  }
0x2a: {  	p0 =	seq.s32 s5, $0x0;
	s5 =	sld [smem:$0x3FB0]  }
0x2b: {  	s6 =	sld [smem:$0x3FB1]  }
0x2c: {  	s7 =	sld [smem:$0x3FB2]  }
0x2d: {  	s3 =	simm.s32 $0x108;
	s8 =	sld [smem:$0x3FB3]  }
0x2e: {  	s3 =	simm.s32 @!p0 $0x1082;
	s9 =	sld [smem:$0x3FB4]  }
0x2f: {  	lr =	sadd.s32 s0, s3;
	s0 =	sld [smem:$0x3FAB]  }
0x30: {  	s3 =	sld [smem:$0x3FAE]  }
0x31: {  	[smem:$0x3FB7] =	sst s10  }
0x32: {  	s10 =	sld [smem:$0x3FB5];
	_ =	sdelay $0x3  }
0x33: {  	p0 =	seq.s32 s10, $0x1;
	s10 =	sld [smem:$0x3FB7];
	_ =	sdelay $0x3  }
0x34: {  	[smem:$0x3FB7] =	sst s10  }
0x35: {  	s10 =	sld [smem:$0x3FB6];
	_ =	sdelay $0x3  }
0x36: {  	p1 =	seq.s32 s10, $0x1;
	s10 =	sld [smem:$0x3FB7];
	_ =	sdelay $0x3  }
0x37: {  	[smem:$0x3FB7] =	sst s10  }
0x38: {  	s10 =	sld [smem:$0x3FB8]  }
0x39: {  	_ = 	snop;
	(pc) =	sbr.ind lr, $3  }
0x3a: {  	_ = 	snop  }
0x3b: {  	_ = 	snop  }
0x3c: {  	p2 =	seq.s32 s10, $0x1;
	s10 =	sld [smem:$0x3FB7]  }
0x3d: {  	_ =	shalt  }
0x3e: {  	_ =	shalt  }
0x3f: {  	_ =	shalt  }
0x40: {  	_ =	shalt  }
0x41: {  	_ =	shalt  }
0x42: {  	_ =	shalt  }
0x43: {  	_ =	shalt  }
0x44: {  	_ =	shalt  }
0x45: {  	_ =	shalt  }
0x46: {  	_ =	shalt  }
0x47: {  	_ =	shalt  }
0x48: {  	_ =	shalt  }
0x49: {  	_ =	shalt  }
0x4a: {  	_ =	shalt  }
0x4b: {  	_ =	shalt  }
0x4c: {  	_ =	shalt  }
0x4d: {  	_ =	shalt  }
0x4e: {  	_ =	shalt  }
0x4f: {  	_ =	shalt  }
0x50: {  	_ =	shalt  }
0x51: {  	_ =	shalt  }
0x52: {  	_ =	shalt  }
0x53: {  	_ =	shalt  }
0x54: {  	_ =	shalt  }
0x55: {  	_ =	shalt  }
0x56: {  	_ =	shalt  }
0x57: {  	_ =	shalt  }
0x58: {  	_ =	shalt  }
0x59: {  	_ =	shalt  }
0x5a: {  	_ =	shalt  }
0x5b: {  	_ =	shalt  }
0x5c: {  	_ =	shalt  }
0x5d: {  	_ =	shalt  }
0x5e: {  	_ =	shalt  }
0x5f: {  	_ =	shalt  }
0x60: {  	_ =	shalt  }
0x61: {  	_ =	shalt  }
0x62: {  	_ =	shalt  }
0x63: {  	_ =	shalt  }
0x64: {  	_ =	shalt  }
0x65: {  	_ =	shalt  }
0x66: {  	_ =	shalt  }
0x67: {  	_ =	shalt  }
0x68: {  	_ =	shalt  }
0x69: {  	_ =	shalt  }
0x6a: {  	_ =	shalt  }
0x6b: {  	_ =	shalt  }
0x6c: {  	_ =	shalt  }
0x6d: {  	_ =	shalt  }
0x6e: {  	_ =	shalt  }
0x6f: {  	_ =	shalt  }
0x70: {  	_ =	shalt  }
0x71: {  	_ =	shalt  }
0x72: {  	_ =	shalt  }
0x73: {  	_ =	shalt  }
0x74: {  	_ =	shalt  }
0x75: {  	_ =	shalt  }
0x76: {  	_ =	shalt  }
0x77: {  	_ =	shalt  }
0x78: {  	_ =	shalt  }
0x79: {  	_ =	shalt  }
0x7a: {  	_ =	shalt  }
0x7b: {  	_ =	shalt  }
0x7c: {  	_ =	shalt  }
0x7d: {  	_ =	shalt  }
0x7e: {  	_ =	shalt  }
0x7f: {  	_ =	shalt  }
0x80: {  	_ =	shalt  }
0x81: {  	_ =	shalt  }
0x82: {  	_ =	shalt  }
0x83: {  	_ =	shalt  }
0x84: {  	_ =	shalt  }
0x85: {  	_ =	shalt  }
0x86: {  	_ =	shalt  }
0x87: {  	_ =	shalt  }
.Lfunc_end0:
.L_simem_size_0:
called_computation_lowered:
.L_overlay_start_0:
0x88: {  	s2 =	sld [smem:$0x3FD9]  }
0x89: {  	s3 =	sld [smem:$0x3FFE];
	_ =	sdelay $0x1  }
0x8a: {  	s1 =	srdreg.scid  }
0x8b: {  	s0 =	sand.u32 $0x1, s1  }
0x8c: {  	s17 =	sshll.u32 s0, $0xA;
	s2 =	sadd.s32 s3, s2  }
0x8d: {  	s2 =	sadd.s32 s2, s17  }
0x8e: {  	[smem:$0x3FC3] =	sst s2  }
0x8f: {  	_ = 	snop  }
0x90: {  	s2 =	sld [smem:$0x3FC9]  }
0x91: {  	s18 =	sld [smem:$0x3FD0];
	(tm) =	ssettm $0x1  }
0x92: {  	s4 =	sld [smem:$0x3FFB];
	_ =	sdelay $0x3  }
0x93: {  	_ =	strace s4  }
0x94: {  	s4 =	sld [smem:$0x3FFC];
	_ =	sdelay $0x3  }
0x95: {  	_ =	strace s4  }
0x96: {  	s4 =	sld [smem:$0x3FFD];
	_ =	sdelay $0x3  }
0x97: {  	_ =	strace s4  }
0x98: {  	_ =	strace $0x8FFFFFFF  }
0x99: {  	s19 =	sld [smem:$0x3FDB];
	_ =	sdelay $0x1  }
0x9a: {  	s5 =	simm.s32 $_scs_section_size  }
0x9b: {  	s6 =	simm.s32 $_size__tile_overlayer_lowered;
	s7 =	simm.s32 $_tile_overlayer_lowered  }
0x9c: {  	s22 =	simm.s32 $0x1BFF;
	s21 =	sshll.u32 s7, $0x1;
	s4 =	sadd.s32 s5, s19  }
0x9d: {  	s8 =	simm.s32 $0x0;
	s20 =	sshll.u32 s6, $0x1;
	s6 =	sadd.s32 s21, s4  }
0x9e: {  	[timem:s8], [sflag:s22] =	dma.local [hbm:s6], s20  }
0x9f: {  	_ =	swait.ge [sflag:s22], s20  }
0xa0: {  	s5 =	ssub.s32 $0x0, s20;
	[sflag:s22] =	ssyncset.done $0x0  }
0xa1: {  	[sflag:s22] =	ssyncadd.s32 s5;
	_ =	sdelay $0x1  }
0xa2: {  	s23 =	simm.s32 $0x1B8B  }
0xa3: {  	_ =	swait.ge [sflag:s23], $0x1  }
0xa4: {  	[sflag:s23] =	ssyncset.done $0x0  }
0xa5: {  	s25 =	simm.s32 $0x1B8E;
	s24 =	sld [smem:$0x3FFE];
	[sflag:s23] =	ssyncadd.s32 $0xFFFFFFFF  }
0xa6: {  	s26 =	simm.s32 $execute0_lowered;
	[smem:$0x3FD2] =	sst s25  }
0xa7: {  	s6 =	sshll.u32 s26, $0x1;
	_ =	strace $0x80000046;
	[dreg:$0x1] =	wrdreg $0xFFFFFFFF  }
0xa8: {  	s28 =	simm.s32 $_size_execute0_lowered;
	s4 =	sadd.s32 s4, s6;
	[dreg:$0x0] =	wrdreg $0x0  }
0xa9: {  	s6 =	sshll.u32 s28, $0x1;
	[dreg:$0x2] =	wrdreg s4  }
0xaa: {  	[dreg:$0x3] =	wrdreg s6  }
0xab: {  	[dreg:$0x4] =	wrdreg $0xC0  }
0xac: {  	_ =	task [dreg:s8], $0x5FFFF  }
0xad: {  	[dreg:$0x1] =	wrdreg $0xFFFFFFFF  }
0xae: {  	[dreg:$0x0] =	wrdreg $0x60  }
0xaf: {  	[dreg:$0x2] =	wrdreg s2  }
0xb0: {  	[dreg:$0x3] =	wrdreg s24  }
0xb1: {  	[dreg:$0x4] =	wrdreg s18  }
0xb2: {  	[dreg:$0x5] =	wrdreg $0xB7800  }
0xb3: {  	[dreg:$0x6] =	wrdreg $0x9  }
0xb4: {  	_ =	task.clear_ibuf [dreg:s8], $0x7FFFF;
	_ =	strace $0x90000046  }
0xb5: {  	s29 =	simm.s32 $0x9;
	_ =	strace $0x80000048  }
0xb6: {  	_ =	swait.ge [sflag:s29], $0x1  }
0xb7: {  	[sflag:s29] =	ssyncadd.s32 $0xFFFFFFFF  }
0xb8: {  	_ =	strace $0x90000048  }
0xb9: {  	_ =	sfence  }
0xba: {  	s30 =	sld [smem:$0x0];
	_ =	sdelay $0x2  }
0xbb: {  	s31 =	sshll.u32 s1, $0xD;
	s1 =	sshrl.u32 s1, $0x2  }
0xbc: {  	s3 =	sand.u32 $0x4000, s31;
	s1 =	sadd.s32 s1, s30  }
0xbd: {  	s0 =	sor.u32 s3, s0;
	s1 =	sshll.u32 s1, $0x11  }
0xbe: {  	s0 =	sor.u32 s1, s0  }
0xbf: {  	s0 =	sadd.s32 $0x8F2B, s0  }
0xc0: {  	[sflag:s0] =	ssyncadd.remote.s32 $0x1  }
0xc1: {  	_ =	sfence.sel $0xFFFF  }
0xc2: {  	[dreg:$0x0] =	wrdreg $0xFFFFFFFF;
	(pc) =	sbr.abs _section_cstart, $3  }
0xc3: {  	[dreg:$0x1] =	wrdreg $0xFFFFFFFF  }
0xc4: {  	_ =	task.clear_ibuf [dreg:s8], $0x2FFFF;
	_ =	strace $0x9FFFFFFF  }
0xc5: {  	(tm) =	ssettm $0x7FFFFFFF  }
tec
execute0_lowered:
.L_overlay_start_1:
0x0: {  	(tag) =	ssettag $0x1  }
0x1: {  	s1 =	rddreg [dreg:$0x0]  }
0x2: {  	s7 =	rddreg [dreg:$0x1]  }
0x3: {  	s0 =	srdreg.scid;
	s9 =	rddreg [dreg:$0x2]  }
0x4: {  	s3 =	rddreg [dreg:$0x3];
	s4 =	simm.s32 $0x0;
	s15 =	simm.s32 $0x50  }
0x5: {  	s16 =	simm.s32 $0x6780;
	s17 =	simm.s32 $0x3;
	s18 =	simm.s32 $0x5  }
0x6: {  	s19 =	simm.s32 $0x1;
	s20 =	simm.s32 $0x6;
	s21 =	simm.s32 $0xA0  }
0x7: {  	s22 =	simm.s32 $0x8F80;
	s23 =	simm.s32 $0x2;
	s6 =	sand.u32 $0x1, s0  }
0x8: {  	s24 =	simm.s32 $0x6500;
	s0 =	stileid.u32;
	s8 =	smul.u32 $0x13C000, s6  }
0x9: {  	s25 =	simm.s32 $0x6580;
	s26 =	simm.s32 $0x0;
	s11 =	smul.u32 $0x13C00, s0  }
0xa: {  	[smem:$0x7FF] =	sst s4;
	s2 =	sshll.u32 s6, $0x4;
	s28 =	smul.u32 $0x4F000, s0  }
0xb: {  	s6 =	ssub.s32 $0x2, s6;
	s10 =	sor.u32 s0, s2;
	s2 =	rddreg [dreg:$0x4]  }
0xc: {  	_ =	strace $0x80000047;
	s29 =	sshrl.u32 s6, $0x1;
	s5 =	smul.u32 $0x4E2, s10  }
0xd: {  	s8 =	sadd.s32 s11, s8;
	s30 =	sshrl.u32 s28, $0x2;
	s31 =	ssub.s32 s6, s29  }
0xe: {  	s6 =	sshll.u32 s0, $0x6;
	s10 =	sshll.u32 s10, $0xB;
	s8 =	sshrl.u32 s8, $0x3  }
0xf: {  	s14 =	sadd.s32 s30, s3;
	s9 =	sadd.s32 s9, s10;
	s11 =	smax.u32 s31, $0x1  }
0x10: {  	s12 =	sadd.s32 s5, s7;
	s5 =	sadd.s32 $0xAA00, s7;
	s13 =	sadd.s32 s8, s7  }
0x11: {  	s7 =	sor.u32 $0x1C03, s6;
	s8 =	sadd.s32 $0xC00, s12;
	s10 =	sadd.s32 $0xD200, s13  }
0x12: {  	s12 =	sshrl.u32 s14, $0x3;
	s13 =	simm.s32 $0x2780;
	s14 =	simm.s32 $0x4  }
.LBB2_1:
0x13: {  	[spmem:s12], [sflag:s7] =	dma.local [hbm:s5], $0x2780  }
0x14: {  	[tilespmem:s4], [sflag:$0x4] =	stream.linear.gather [hbm4b:s8+s4], $0x2710, $0x38;
	[tilespmem:$0x1F380] =	vst v63  }
0x15: {  	_ = 	snop  }
0x16: {  	[tilespmem:s13], [sflag:$0x5] =	stream.linear.gather [hbm4b:s9+s4], $0x3E80, $0x38;
	[tilespmem:$0x1F380] =	vst v63  }
0x17: {  	_ =	swait.ge [sflag:s14], $0x2710  }
0x18: {  	[sflag:s14] =	ssyncset.done $0x0  }
0x19: {  	[sflag:s14] =	ssyncadd.s32 $0xFFFFD8F0  }
0x1a: {  	[tilespmem:s16], [sflag:$0x1] =	stream.indirect.gather [hbm4b:s1+s15], $0x80, s4, s15, $0xb8;
	[tilespmem:$0x1F380] =	vst v63  }
0x1b: {  	_ =	swait.ge [sflag:s17], $0x2780  }
0x1c: {  	[sflag:s17] =	ssyncset.done $0x0  }
0x1d: {  	[sflag:s17] =	ssyncadd.s32 $0xFFFFD880  }
0x1e: {  	_ =	swait.ge [sflag:s18], $0x3E80  }
0x1f: {  	[sflag:s18] =	ssyncset.done $0x0  }
0x20: {  	[sflag:s18] =	ssyncadd.s32 $0xFFFFC180  }
0x21: {  	[bflag:$0x0] =	sbarrier.arrive $0xFFFF  }
0x22: {  	_ =	swait.ge [sflag:s19], $0x2800  }
0x23: {  	[sflag:s19] =	ssyncset.done $0x0  }
0x24: {  	[sflag:s19] =	ssyncadd.s32 $0xFFFFD800  }
0x25: {  	[spmem:s3] =	stream.indirect.scatter.add.f32 [tilespmem:s16], [sflag:$0x6], $0x80, s13, s15, $0xb8;
	[tilespmem:$0x1F380] =	vst v63  }
0x26: {  	_ =	swait.ge [sflag:s20], $0x2800  }
0x27: {  	[sflag:s20] =	ssyncset.done $0x0  }
0x28: {  	[sflag:s20] =	ssyncadd.s32 $0xFFFFD800  }
0x29: {  	[tilespmem:s16], [sflag:$0x1] =	stream.indirect.gather [hbm4b:s1+s15], $0x80, s15, s15, $0xb8;
	[tilespmem:$0x1F380] =	vst v63  }
0x2a: {  	_ = 	snop  }
0x2b: {  	[tilespmem:s22], [sflag:$0x2] =	stream.indirect.gather [hbm4b:s1+s15], $0x80, s21, s15, $0xb8;
	[tilespmem:$0x1F380] =	vst v63  }
0x2c: {  	_ =	swait.ge [sflag:s19], $0x2800  }
0x2d: {  	[sflag:s19] =	ssyncset.done $0x0  }
0x2e: {  	s28 =	simm.s32 $0x2800;
	[sflag:s19] =	ssyncadd.s32 $0xFFFFD800  }
0x2f: {  	[spmem:s3] =	stream.indirect.scatter.add.f32 [tilespmem:s16], [sflag:$0x6], $0x80, s28, s15, $0xb8;
	[tilespmem:$0x1F380] =	vst v63  }
0x30: {  	_ =	swait.ge [sflag:s20], $0x2800  }
0x31: {  	[sflag:s20] =	ssyncset.done $0x0  }
0x32: {  	s28 =	simm.s32 $0xF0;
	[sflag:s20] =	ssyncadd.s32 $0xFFFFD800  }
0x33: {  	[tilespmem:s16], [sflag:$0x1] =	stream.indirect.gather [hbm4b:s1+s15], $0x80, s28, s15, $0xb8;
	[tilespmem:$0x1F380] =	vst v63  }
0x34: {  	_ =	swait.ge [sflag:s23], $0x2800  }
0x35: {  	[sflag:s23] =	ssyncset.done $0x0  }
0x36: {  	s28 =	simm.s32 $0x2880;
	[sflag:s23] =	ssyncadd.s32 $0xFFFFD800  }
0x37: {  	[spmem:s3] =	stream.indirect.scatter.add.f32 [tilespmem:s22], [sflag:$0x6], $0x80, s28, s15, $0xb8;
	[tilespmem:$0x1F380] =	vst v63  }
0x38: {  	_ =	swait.ge [sflag:s20], $0x2800  }
0x39: {  	s30 =	simm.s32 $0x140;
	[sflag:s20] =	ssyncset.done $0x0  }
0x3a: {  	s29 =	simm.s32 $0x2980;
	s28 =	simm.s32 $0xFFFF6A00;
	[sflag:s20] =	ssyncadd.s32 $0xFFFFD800  }
.LBB2_2:
0x3b: {  	[tilespmem:s22], [sflag:$0x2] =	stream.indirect.gather [hbm4b:s1+s15], $0x80, s30, s15, $0xb8;
	[tilespmem:$0x1F380] =	vst v63  }
0x3c: {  	s30 =	smov.u32 s28  }
0x3d: {  	p0 =	sne.s32 s28, $0xFFFFFD80;
	s28 =	sadd.s32 $0x280, s28;
	_ =	swait.ge [sflag:s19], $0x2800  }
0x3e: {  	[sflag:s19] =	ssyncset.done $0x0  }
0x3f: {  	s31 =	sadd.s32 $0xFFFFFF80, s29;
	[sflag:s19] =	ssyncadd.s32 $0xFFFFD800  }
0x40: {  	[spmem:s3] =	stream.indirect.scatter.add.f32 [tilespmem:s16], [sflag:$0x6], $0x80, s31, s15, $0xb8;
	[tilespmem:$0x1F380] =	vst v63  }
0x41: {  	_ =	swait.ge [sflag:s20], $0x2800  }
0x42: {  	s30 =	sshra.s32 s30, $0x2;
	[sflag:s20] =	ssyncset.done $0x0  }
0x43: {  	s31 =	sadd.s32 $0x2710, s30;
	[sflag:s20] =	ssyncadd.s32 $0xFFFFD800  }
0x44: {  	[tilespmem:s16], [sflag:$0x1] =	stream.indirect.gather [hbm4b:s1+s15], $0x80, s31, s15, $0xb8;
	[tilespmem:$0x1F380] =	vst v63  }
0x45: {  	_ =	swait.ge [sflag:s23], $0x2800  }
0x46: {  	[sflag:s23] =	ssyncset.done $0x0  }
.Ltmp0:
0x47: {  	[sflag:s23] =	ssyncadd.s32 $0xFFFFD800;
	(pc) =	sbr.rel @p0 .LBB2_2-.Ltmp0, $4  }
0x48: {  	[spmem:s3] =	stream.indirect.scatter.add.f32 [tilespmem:s22], [sflag:$0x6], $0x80, s29, s15, $0xb8;
	[tilespmem:$0x1F380] =	vst v63  }
0x49: {  	_ =	swait.ge [sflag:s20], $0x2800  }
0x4a: {  	[sflag:s20] =	ssyncset.done $0x0  }
0x4b: {  	s30 =	sadd.s32 $0x2760, s30;
	s29 =	sadd.s32 $0x100, s29;
	[sflag:s20] =	ssyncadd.s32 $0xFFFFD800  }
0x4c: {  	[tilespmem:s22], [sflag:$0x2] =	stream.indirect.gather [hbm4b:s1+s15], $0x80, s30, s15, $0xb8;
	[tilespmem:$0x1F380] =	vst v63  }
0x4d: {  	_ =	swait.ge [sflag:s19], $0x2800  }
0x4e: {  	[sflag:s19] =	ssyncset.done $0x0  }
0x4f: {  	[sflag:s19] =	ssyncadd.s32 $0xFFFFD800  }
0x50: {  	[spmem:s3] =	stream.indirect.scatter.add.f32 [tilespmem:s16], [sflag:$0x6], $0x80, s24, s15, $0xb8;
	[tilespmem:$0x1F380] =	vst v63  }
0x51: {  	_ =	swait.ge [sflag:s20], $0x2800  }
0x52: {  	[sflag:s20] =	ssyncset.done $0x0  }
0x53: {  	[sflag:s20] =	ssyncadd.s32 $0xFFFFD800  }
0x54: {  	_ =	swait.ge [sflag:s23], $0x2800  }
0x55: {  	[sflag:s23] =	ssyncset.done $0x0  }
0x56: {  	[sflag:s23] =	ssyncadd.s32 $0xFFFFD800  }
0x57: {  	[spmem:s3] =	stream.indirect.scatter.add.f32 [tilespmem:s22], [sflag:$0x6], $0x80, s25, s15, $0xb8;
	[tilespmem:$0x1F380] =	vst v63  }
0x58: {  	_ =	swait.ge [sflag:s20], $0x2800  }
0x59: {  	[sflag:s20] =	ssyncset.done $0x0  }
0x5a: {  	[sflag:s20] =	ssyncadd.s32 $0xFFFFD800  }
0x5b: {  	[bflag:$0x0] =	sbarrier.arrive $0xFFFF  }
0x5c: {  	_ =	sdelay $0x7ff  }
0x5d: {  	s26 =	sadd.s32 $0x1, s26;
	_ =	sdelay $0x7ff  }
0x5e: {  	p0 =	sne.s32 s26, s11;
	_ =	sdelay $0x601  }
.Ltmp1:
0x5f: {  	s28 =	sor.u32 $0x1C06, s6;
	[bflag:$0x0] =	sbarrier.arrive $0xFFFF;
	(pc) =	sbr.rel @p0 .LBB2_1-.Ltmp1, $4  }
0x60: {  	[hbm:s10], [sflag:s28] =	dma.local [spmem:s12], $0x2780  }
0x61: {  	_ =	swait.ge [sflag:s20], $0x2780  }
0x62: {  	[sflag:s20] =	ssyncset.done $0x0  }
0x63: {  	[sflag:s20] =	ssyncadd.s32 $0xFFFFD880  }
0x64: {  	_ =	sfence.sel $0x180000  }
0x65: {  	[bflag:$0x0] =	sbarrier.arrive $0xFFFF  }
0x66: {  	p0 =	sne.s32 s0, $0x0;
	_ =	strace $0x90000047  }
0x67: {  	s0 =	sadd.s32 @!p0 $0x100000, s2;
	[bflag:$0x2] =	sbarrier.arrive $0xFFFF  }
0x68: {  	[sflag:s0] =	ssyncadd.tile.s32 @!p0 $0x1;
	_ =	shalt  }
.Lfunc_end2:
_tile_overlayer_lowered:
.L_overlay_start_2:
0x69: {  	(tag) =	ssettag $0x2  }
0x6a: {  	s0 =	rddreg [dreg:$0x0];
	s2 =	stileid.u32  }
0x6b: {  	s1 =	rddreg [dreg:$0x1];
	p0 =	sne.s32 s2, $0x0  }
0x6c: {  	s3 =	rddreg [dreg:$0x2];
	[bflag:$0x3] =	sbarrier.arrive $0xFFFF;
	s2 =	simm.s32 @!p0 $0x1C06  }
0x6d: {  	[timem:s3], [sflag:s2] =	dma.local @!p0 [hbm:s0], s1  }
0x6e: {  	s0 =	simm.s32 @!p0 $0x6  }
0x6f: {  	_ =	swait.ge @!p0 [sflag:s0], s1  }
0x70: {  	s1 =	ssub.s32 @!p0 $0x0, s1;
	[sflag:s0] =	ssyncset.done @!p0 $0x0  }
0x71: {  	[sflag:s0] =	ssyncadd.s32 @!p0 s1  }
0x72: {  	[bflag:$0x3] =	sbarrier.arrive $0xFFFF  }
0x73: {  	_ =	shalt  }

</sc_bundles>
